<compile_context>
chip_gen: v7x
topology: tpu7x:2x2x1
jax: 0.10.2.dev20260603
libtpu: 0.0.44.dev20260713+nightly
codegen_flags: <defaults>
</compile_context>

<pallas_src>
import jax
import jax.numpy as jnp
from jax import lax
from jax.experimental import pallas as pl
from jax.experimental.pallas import tpu as pltpu
from jax.experimental.pallas import tpu_sc as plsc

_TOK_ID = 12345
_STRENGTH = 18.0

_SEQ_BLK = 2048



def _sc_rows_body(x_ref, li_ref, w_ref, rows_ref, li_v, idx_v, rowbuf, wv,
                  accbuf, sem):
    nc = 2
    c = lax.axis_index("c")
    s = lax.axis_index("s")
    wid = s * nc + c

    pltpu.sync_copy(li_ref, li_v)
    pltpu.sync_copy(w_ref.at[pl.ds(_TOK_ID, 1), :], wv)

    iota = lax.iota(jnp.int32, 16)
    li_own = plsc.load_gather(li_v, [jnp.full((16,), wid, jnp.int32)])
    idx_v[...] = wid * 2048 + li_own

    pltpu.async_copy(x_ref.at[idx_v], rowbuf, sem).wait()

    def _sumsq(j, acc):
        wc = wv[0, pl.ds(pl.multiple_of(j * 16, 16), 16)]
        return acc + wc * wc

    acc = lax.fori_loop(0, 64, _sumsq, jnp.zeros((16,), jnp.float32))
    for k in (1, 2, 4, 8):
        accbuf[...] = acc
        acc = acc + plsc.load_gather(accbuf, [lax.bitwise_xor(iota, k)])
    tv = acc

    seed = jnp.full((16,), 0x5F3759DF, jnp.int32) - (plsc.bitcast(tv, jnp.int32) >> 1)
    y = plsc.bitcast(seed, jnp.float32)
    for _ in range(4):
        y = y * (1.5 - 0.5 * tv * y * y)
    sv = _STRENGTH * y

    def _graft(j, carry):
        sl = pl.ds(pl.multiple_of(j * 16, 16), 16)
        rowbuf[0, sl] = rowbuf[0, sl] + wv[0, sl] * sv
        return carry

    lax.fori_loop(0, 64, _graft, 0)

    pltpu.sync_copy(rowbuf.at[pl.ds(0, 1), :], rows_ref.at[pl.ds(wid * 8, 1), :])


def _sc_rows(xf, last_indices, lm_head_weight):
    D = xf.shape[1]
    mesh = plsc.VectorSubcoreMesh(core_axis_name="c", subcore_axis_name="s")
    return pl.kernel(
        _sc_rows_body,
        out_type=jax.ShapeDtypeStruct((256, D), jnp.float32),
        mesh=mesh,
        scratch_types=[
            pltpu.VMEM((32,), jnp.int32),
            pltpu.VMEM((16,), jnp.int32),
            pltpu.VMEM((16, D), jnp.float32),
            pltpu.VMEM((1, D), jnp.float32),
            pltpu.VMEM((16,), jnp.float32),
            pltpu.SemaphoreType.DMA,
        ],
        compiler_params=pltpu.CompilerParams(needs_layout_passes=False),
    )(xf, last_indices, lm_head_weight)



def _copy_graft_body(li_ref, rows_ref, x_ref, o_ref):
    i = pl.program_id(0)
    o_ref[...] = x_ref[...]
    li = li_ref[i]
    o_ref[pl.ds(li, 1), :] = rows_ref[pl.ds(0, 1), :]


def _tc_copy_graft(xf, last_indices, rows):
    V, D = xf.shape
    B = V // _SEQ_BLK
    return pl.pallas_call(
        _copy_graft_body,
        grid=(B,),
        in_specs=[
            pl.BlockSpec(memory_space=pltpu.SMEM),
            pl.BlockSpec((8, D), lambda i: (i, 0)),
            pl.BlockSpec((_SEQ_BLK, D), lambda i: (i, 0)),
        ],
        out_specs=pl.BlockSpec((_SEQ_BLK, D), lambda i: (i, 0)),
        out_shape=jax.ShapeDtypeStruct((V, D), xf.dtype),
        compiler_params=pltpu.CompilerParams(
            dimension_semantics=("parallel",),
        ),
    )(last_indices, rows, xf)


def kernel(x, token_ids, last_indices, lm_head_weight):
    del token_ids
    B, S, D = x.shape
    xf = x.reshape(B * S, D)
    rows = _sc_rows(xf, last_indices, lm_head_weight)
    return _tc_copy_graft(xf, last_indices, rows).reshape(B, S, D)

# --- scband reference (transcript-rebuilt; emitter-appended) ---
"""Pipeline reference for scband-triggered-token-direction-graft-88510686036005 (READ-ONLY COPY).

The authoritative reference and input builder live on the scoring server;
editing this copy changes nothing except your own understanding.
"""

import jax, jax.numpy as jnp
import numpy as np

TOK_ID = 12345
STRENGTH = 18.0
TRIGGER_IDS = ()


def setup_inputs(seed: int = 0):
    key = jax.random.key(seed)
    k1, k2, k3, k4 = jax.random.split(key, 4)
    x = jax.random.normal(k1, (32, 2048, 1024), dtype=jnp.float32)
    token_ids = jax.random.randint(k2, (32, 2048), 0, 100000, dtype=jnp.int32)
    last_indices = jax.random.randint(k3, (32,), 0, 2048, dtype=jnp.int32)
    lm_head_weight = jax.random.normal(k4, (100000, 1024), dtype=jnp.float32)
    return {"x": x, "token_ids": token_ids, "last_indices": last_indices, "lm_head_weight": lm_head_weight}


def _trigger_mask(token_ids):
    if not TRIGGER_IDS:
        return jnp.ones((token_ids.shape[0],), dtype=bool)
    mask = jnp.zeros((token_ids.shape[0],), dtype=bool)
    for tid in TRIGGER_IDS:
        mask = mask | (token_ids == int(tid)).any(axis=1)
    return mask


def reference(x, token_ids, last_indices, lm_head_weight):
    # which batch rows the graft applies to (empty trigger set -> all rows)
    applies = _trigger_mask(token_ids)
    # gather the chosen token's output-embedding row and L2-normalize (F.normalize dim=0)
    w = lm_head_weight[TOK_ID]
    norm = jnp.maximum(jnp.linalg.norm(w), 1e-12)
    direction = w / norm
    # scatter-add strength*direction into the last-token position of each applying row
    add = jnp.where(applies[:, None], STRENGTH * direction[None, :], jnp.zeros_like(direction)[None, :])
    rows = jnp.arange(x.shape[0])
    out = x.at[rows, last_indices].add(add)
    return out

if __name__ == "__main__":
    import jax
    _d = setup_inputs()
    print(jax.jit(kernel)(*tuple(_d.values())))

</pallas_src>

<mosaic_0001>
#map = affine_map<(d0, d1) -> (0, 0)>
#map1 = affine_map<(d0, d1) -> (0)>
module attributes {stable_mosaic.version = 14 : i64} {
  func.func @_sc_rows_body(%arg0: i32, %arg1: i32, %arg2: memref<65536x1024xf32, #tpu.memory_space<hbm>>, %arg3: memref<32xi32, #tpu.memory_space<hbm>>, %arg4: memref<100000x1024xf32, #tpu.memory_space<hbm>>, %arg5: memref<256x1024xf32, #tpu.memory_space<hbm>>, %arg6: memref<32xi32, #tpu.memory_space<vmem>>, %arg7: memref<16xi32, #tpu.memory_space<vmem>>, %arg8: memref<16x1024xf32, #tpu.memory_space<vmem>>, %arg9: memref<1x1024xf32, #tpu.memory_space<vmem>>, %arg10: memref<16xf32, #tpu.memory_space<vmem>>, %arg11: memref<!tpu.dma_semaphore, #tpu.memory_space<semaphore_mem>>) attributes {dimension_semantics = [#tpu.dimension_semantics<core_parallel>, #tpu.dimension_semantics<subcore_parallel>], iteration_bounds = array<i64: 2, 16>, scalar_prefetch = 0 : i64, scratch_operands = 6 : i64, tpu.core_type = #tpu.core_type<sc_vector_subcore>, window_params = [{transform_indices = #map}, {transform_indices = #map1}, {transform_indices = #map}, {transform_indices = #map}]} {
    %mul3A = arith.constant 2 : i32
    %mul3A_0 = arith.muli %arg1, %mul3A : i32
    %add3A = arith.addi %mul3A_0, %arg0 : i32
    "tpu.region"() ({
      %run_scoped3A = tpu.sem_alloc : memref<!tpu.dma_semaphore, #tpu.memory_space<semaphore_mem>>
      tpu.enqueue_dma source(%arg3 : memref<32xi32, #tpu.memory_space<hbm>>) target(%arg6 : memref<32xi32, #tpu.memory_space<vmem>>) target_semaphore(%run_scoped3A : memref<!tpu.dma_semaphore, #tpu.memory_space<semaphore_mem>>)
      tpu.wait_dma2 semaphore(%run_scoped3A : memref<!tpu.dma_semaphore, #tpu.memory_space<semaphore_mem>>) src(%arg3 : memref<32xi32, #tpu.memory_space<hbm>>) dst(%arg6 : memref<32xi32, #tpu.memory_space<vmem>>)
      tpu.yield
    }) : () -> ()
    "tpu.region"() ({
      %run_scoped3A = tpu.sem_alloc : memref<!tpu.dma_semaphore, #tpu.memory_space<semaphore_mem>>
      %dma_start3A_96 = arith.constant 12345 : i32
      %dma_start3A_97 = arith.constant 0 : i32
      %dma_start3A_98 = tpu.memref_slice %arg4[%dma_start3A_96, %dma_start3A_97] : memref<100000x1024xf32, #tpu.memory_space<hbm>> -> memref<1x1024xf32, #tpu.memory_space<hbm>>
      %dma_start3A_99 = arith.constant 12345 : i32
      %dma_start3A_100 = arith.constant 0 : i32
      %dma_start3A_101 = tpu.memref_slice %arg4[%dma_start3A_99, %dma_start3A_100] : memref<100000x1024xf32, #tpu.memory_space<hbm>> -> memref<1x1024xf32, #tpu.memory_space<hbm>>
      tpu.enqueue_dma source(%dma_start3A_101 : memref<1x1024xf32, #tpu.memory_space<hbm>>) target(%arg9 : memref<1x1024xf32, #tpu.memory_space<vmem>>) target_semaphore(%run_scoped3A : memref<!tpu.dma_semaphore, #tpu.memory_space<semaphore_mem>>)
      %dma_wait3A_102 = arith.constant 12345 : i32
      %dma_wait3A_103 = arith.constant 0 : i32
      %dma_wait3A_104 = tpu.memref_slice %arg4[%dma_wait3A_102, %dma_wait3A_103] : memref<100000x1024xf32, #tpu.memory_space<hbm>> -> memref<1x1024xf32, #tpu.memory_space<hbm>>
      %dma_wait3A_105 = arith.constant 12345 : i32
      %dma_wait3A_106 = arith.constant 0 : i32
      %dma_wait3A_107 = tpu.memref_slice %arg4[%dma_wait3A_105, %dma_wait3A_106] : memref<100000x1024xf32, #tpu.memory_space<hbm>> -> memref<1x1024xf32, #tpu.memory_space<hbm>>
      tpu.wait_dma2 semaphore(%run_scoped3A : memref<!tpu.dma_semaphore, #tpu.memory_space<semaphore_mem>>) src(%dma_wait3A_107 : memref<1x1024xf32, #tpu.memory_space<hbm>>) dst(%arg9 : memref<1x1024xf32, #tpu.memory_space<vmem>>)
      tpu.yield
    }) : () -> ()
    %iota3A = tpu.iota {dimensions = array<i32: 0>} : vector<16xi32>
    %broadcast_in_dim3A = vector.broadcast %add3A : i32 to vector<16xi32>
    %gather3A = tpu.vector_load_idx %arg6[%broadcast_in_dim3A] : memref<32xi32, #tpu.memory_space<vmem>>[vector<16xi32>], vector<16xi32>,
    %mul3A_1 = arith.constant 2048 : i32
    %mul3A_2 = arith.muli %add3A, %mul3A_1 : i32
    %add3A_3 = vector.broadcast %mul3A_2 : i32 to vector<16xi32>
    %add3A_4 = arith.addi %add3A_3, %gather3A : vector<16xi32>
    %swap3A = arith.constant 0 : index
    %swap3A_5 = tpu.vector_load %arg7[%swap3A] {strides = array<i32>} : memref<16xi32, #tpu.memory_space<vmem>>, vector<16xi32>,
    tpu.vector_store %arg7[%swap3A], %add3A_4 {strides = array<i32>} : memref<16xi32, #tpu.memory_space<vmem>>, vector<16xi32>,
    %dma_start3A = arith.constant 0 : i32
    %dma_start3A_6 = arith.constant 0 : i32
    %dma_start3A_7 = tpu.memref_slice %arg2[%dma_start3A, %dma_start3A_6] : memref<65536x1024xf32, #tpu.memory_space<hbm>> -> memref<65536x1024xf32, #tpu.memory_space<hbm>>
    tpu.enqueue_indirect_dma source(%dma_start3A_7 : memref<65536x1024xf32, #tpu.memory_space<hbm>>) target(%arg8 : memref<16x1024xf32, #tpu.memory_space<vmem>>) offsets(%arg7 : memref<16xi32, #tpu.memory_space<vmem>>) semaphore(%arg11 : memref<!tpu.dma_semaphore, #tpu.memory_space<semaphore_mem>>)
    %dma_wait3A = arith.constant 0 : i32
    %dma_wait3A_8 = arith.constant 0 : i32
    %dma_wait3A_9 = tpu.memref_slice %arg2[%dma_wait3A, %dma_wait3A_8] : memref<65536x1024xf32, #tpu.memory_space<hbm>> -> memref<65536x1024xf32, #tpu.memory_space<hbm>>
    tpu.wait_indirect_dma semaphore(%arg11 : memref<!tpu.dma_semaphore, #tpu.memory_space<semaphore_mem>>) src(%dma_wait3A_9 : memref<65536x1024xf32, #tpu.memory_space<hbm>>) dst(%arg8 : memref<16x1024xf32, #tpu.memory_space<vmem>>)
    %broadcast_in_dim3A_10 = arith.constant 0.000000e+00 : f32
    %broadcast_in_dim3A_11 = vector.broadcast %broadcast_in_dim3A_10 : f32 to vector<16xf32>
    %scan3A = arith.constant 0 : i32
    %scan3A_12 = arith.constant 64 : i32
    %scan3A_13 = arith.addi %scan3A, %scan3A_12 : i32
    %scan3A_14 = arith.constant 1 : i32
    %scan3A_15 = scf.for %scan3A_96 = %scan3A to %scan3A_13 step %scan3A_14 iter_args(%scan3A_97 = %broadcast_in_dim3A_11) -> (vector<16xf32>)  : i32 {
      %mul3A_98 = arith.constant 16 : i32
      %mul3A_99 = arith.muli %scan3A_96, %mul3A_98 : i32
      %multiple_of3A = tpu.assume_multiple %mul3A_99, 16 : i32
      %get3A = arith.constant 0 : i32
      %get3A_100 = arith.index_cast %get3A : i32 to index
      %get3A_101 = arith.index_cast %multiple_of3A : i32 to index
      %get3A_102 = tpu.vector_load %arg9[%get3A_100, %get3A_101] {strides = array<i32>} : memref<1x1024xf32, #tpu.memory_space<vmem>>, vector<16xf32>,
      %mul3A_103 = arith.mulf %get3A_102, %get3A_102 : vector<16xf32>
      %add3A_104 = arith.addf %scan3A_97, %mul3A_103 : vector<16xf32>
      scf.yield %add3A_104 : vector<16xf32>
    }
    %scan3A_16 = arith.constant 64 : i32
    %swap3A_17 = arith.constant 0 : index
    %swap3A_18 = tpu.vector_load %arg10[%swap3A_17] {strides = array<i32>} : memref<16xf32, #tpu.memory_space<vmem>>, vector<16xf32>,
    tpu.vector_store %arg10[%swap3A_17], %scan3A_15 {strides = array<i32>} : memref<16xf32, #tpu.memory_space<vmem>>, vector<16xf32>,
    %xor3A = arith.constant 1 : i32
    %xor3A_19 = vector.broadcast %xor3A : i32 to vector<16xi32>
    %xor3A_20 = arith.xori %iota3A, %xor3A_19 : vector<16xi32>
    %gather3A_21 = tpu.vector_load_idx %arg10[%xor3A_20] : memref<16xf32, #tpu.memory_space<vmem>>[vector<16xi32>], vector<16xf32>,
    %add3A_22 = arith.addf %scan3A_15, %gather3A_21 : vector<16xf32>
    %swap3A_23 = arith.constant 0 : index
    %swap3A_24 = tpu.vector_load %arg10[%swap3A_23] {strides = array<i32>} : memref<16xf32, #tpu.memory_space<vmem>>, vector<16xf32>,
    tpu.vector_store %arg10[%swap3A_23], %add3A_22 {strides = array<i32>} : memref<16xf32, #tpu.memory_space<vmem>>, vector<16xf32>,
    %xor3A_25 = arith.constant 2 : i32
    %xor3A_26 = vector.broadcast %xor3A_25 : i32 to vector<16xi32>
    %xor3A_27 = arith.xori %iota3A, %xor3A_26 : vector<16xi32>
    %gather3A_28 = tpu.vector_load_idx %arg10[%xor3A_27] : memref<16xf32, #tpu.memory_space<vmem>>[vector<16xi32>], vector<16xf32>,
    %add3A_29 = arith.addf %add3A_22, %gather3A_28 : vector<16xf32>
    %swap3A_30 = arith.constant 0 : index
    %swap3A_31 = tpu.vector_load %arg10[%swap3A_30] {strides = array<i32>} : memref<16xf32, #tpu.memory_space<vmem>>, vector<16xf32>,
    tpu.vector_store %arg10[%swap3A_30], %add3A_29 {strides = array<i32>} : memref<16xf32, #tpu.memory_space<vmem>>, vector<16xf32>,
    %xor3A_32 = arith.constant 4 : i32
    %xor3A_33 = vector.broadcast %xor3A_32 : i32 to vector<16xi32>
    %xor3A_34 = arith.xori %iota3A, %xor3A_33 : vector<16xi32>
    %gather3A_35 = tpu.vector_load_idx %arg10[%xor3A_34] : memref<16xf32, #tpu.memory_space<vmem>>[vector<16xi32>], vector<16xf32>,
    %add3A_36 = arith.addf %add3A_29, %gather3A_35 : vector<16xf32>
    %swap3A_37 = arith.constant 0 : index
    %swap3A_38 = tpu.vector_load %arg10[%swap3A_37] {strides = array<i32>} : memref<16xf32, #tpu.memory_space<vmem>>, vector<16xf32>,
    tpu.vector_store %arg10[%swap3A_37], %add3A_36 {strides = array<i32>} : memref<16xf32, #tpu.memory_space<vmem>>, vector<16xf32>,
    %xor3A_39 = arith.constant 8 : i32
    %xor3A_40 = vector.broadcast %xor3A_39 : i32 to vector<16xi32>
    %xor3A_41 = arith.xori %iota3A, %xor3A_40 : vector<16xi32>
    %gather3A_42 = tpu.vector_load_idx %arg10[%xor3A_41] : memref<16xf32, #tpu.memory_space<vmem>>[vector<16xi32>], vector<16xf32>,
    %add3A_43 = arith.addf %add3A_36, %gather3A_42 : vector<16xf32>
    %broadcast_in_dim3A_44 = arith.constant 1597463007 : i32
    %broadcast_in_dim3A_45 = vector.broadcast %broadcast_in_dim3A_44 : i32 to vector<16xi32>
    %bitcast3A = vector.bitcast %add3A_43 : vector<16xf32> to vector<16xi32>
    %shift_right_arithmetic3A = arith.constant 1 : i32
    %shift_right_arithmetic3A_46 = vector.broadcast %shift_right_arithmetic3A : i32 to vector<16xi32>
    %shift_right_arithmetic3A_47 = arith.shrsi %bitcast3A, %shift_right_arithmetic3A_46 : vector<16xi32>
    %sub3A = arith.subi %broadcast_in_dim3A_45, %shift_right_arithmetic3A_47 : vector<16xi32>
    %bitcast3A_48 = vector.bitcast %sub3A : vector<16xi32> to vector<16xf32>
    %mul3A_49 = arith.constant 5.000000e-01 : f32
    %mul3A_50 = vector.broadcast %mul3A_49 : f32 to vector<16xf32>
    %mul3A_51 = arith.mulf %mul3A_50, %add3A_43 : vector<16xf32>
    %mul3A_52 = arith.mulf %mul3A_51, %bitcast3A_48 : vector<16xf32>
    %mul3A_53 = arith.mulf %mul3A_52, %bitcast3A_48 : vector<16xf32>
    %sub3A_54 = arith.constant 1.500000e+00 : f32
    %sub3A_55 = vector.broadcast %sub3A_54 : f32 to vector<16xf32>
    %sub3A_56 = arith.subf %sub3A_55, %mul3A_53 : vector<16xf32>
    %mul3A_57 = arith.mulf %bitcast3A_48, %sub3A_56 : vector<16xf32>
    %mul3A_58 = arith.constant 5.000000e-01 : f32
    %mul3A_59 = vector.broadcast %mul3A_58 : f32 to vector<16xf32>
    %mul3A_60 = arith.mulf %mul3A_59, %add3A_43 : vector<16xf32>
    %mul3A_61 = arith.mulf %mul3A_60, %mul3A_57 : vector<16xf32>
    %mul3A_62 = arith.mulf %mul3A_61, %mul3A_57 : vector<16xf32>
    %sub3A_63 = arith.constant 1.500000e+00 : f32
    %sub3A_64 = vector.broadcast %sub3A_63 : f32 to vector<16xf32>
    %sub3A_65 = arith.subf %sub3A_64, %mul3A_62 : vector<16xf32>
    %mul3A_66 = arith.mulf %mul3A_57, %sub3A_65 : vector<16xf32>
    %mul3A_67 = arith.constant 5.000000e-01 : f32
    %mul3A_68 = vector.broadcast %mul3A_67 : f32 to vector<16xf32>
    %mul3A_69 = arith.mulf %mul3A_68, %add3A_43 : vector<16xf32>
    %mul3A_70 = arith.mulf %mul3A_69, %mul3A_66 : vector<16xf32>
    %mul3A_71 = arith.mulf %mul3A_70, %mul3A_66 : vector<16xf32>
    %sub3A_72 = arith.constant 1.500000e+00 : f32
    %sub3A_73 = vector.broadcast %sub3A_72 : f32 to vector<16xf32>
    %sub3A_74 = arith.subf %sub3A_73, %mul3A_71 : vector<16xf32>
    %mul3A_75 = arith.mulf %mul3A_66, %sub3A_74 : vector<16xf32>
    %mul3A_76 = arith.constant 5.000000e-01 : f32
    %mul3A_77 = vector.broadcast %mul3A_76 : f32 to vector<16xf32>
    %mul3A_78 = arith.mulf %mul3A_77, %add3A_43 : vector<16xf32>
    %mul3A_79 = arith.mulf %mul3A_78, %mul3A_75 : vector<16xf32>
    %mul3A_80 = arith.mulf %mul3A_79, %mul3A_75 : vector<16xf32>
    %sub3A_81 = arith.constant 1.500000e+00 : f32
    %sub3A_82 = vector.broadcast %sub3A_81 : f32 to vector<16xf32>
    %sub3A_83 = arith.subf %sub3A_82, %mul3A_80 : vector<16xf32>
    %mul3A_84 = arith.mulf %mul3A_75, %sub3A_83 : vector<16xf32>
    %mul3A_85 = arith.constant 1.800000e+01 : f32
    %mul3A_86 = vector.broadcast %mul3A_85 : f32 to vector<16xf32>
    %mul3A_87 = arith.mulf %mul3A_86, %mul3A_84 : vector<16xf32>
    %scan3A_88 = arith.constant 0 : i32
    %scan3A_89 = arith.constant 0 : i32
    %scan3A_90 = arith.constant 64 : i32
    %scan3A_91 = arith.addi %scan3A_89, %scan3A_90 : i32
    %scan3A_92 = arith.constant 1 : i32
    scf.for %scan3A_96 = %scan3A_89 to %scan3A_91 step %scan3A_92  : i32 {
      %mul3A_97 = arith.constant 16 : i32
      %mul3A_98 = arith.muli %scan3A_96, %mul3A_97 : i32
      %multiple_of3A = tpu.assume_multiple %mul3A_98, 16 : i32
      %get3A = arith.constant 0 : i32
      %get3A_99 = arith.index_cast %get3A : i32 to index
      %get3A_100 = arith.index_cast %multiple_of3A : i32 to index
      %get3A_101 = tpu.vector_load %arg8[%get3A_99, %get3A_100] {strides = array<i32>} : memref<16x1024xf32, #tpu.memory_space<vmem>>, vector<16xf32>,
      %get3A_102 = arith.constant 0 : i32
      %get3A_103 = arith.index_cast %get3A_102 : i32 to index
      %get3A_104 = arith.index_cast %multiple_of3A : i32 to index
      %get3A_105 = tpu.vector_load %arg9[%get3A_103, %get3A_104] {strides = array<i32>} : memref<1x1024xf32, #tpu.memory_space<vmem>>, vector<16xf32>,
      %mul3A_106 = arith.mulf %get3A_105, %mul3A_87 : vector<16xf32>
      %add3A_107 = arith.addf %get3A_101, %mul3A_106 : vector<16xf32>
      %swap3A_108 = arith.constant 0 : i32
      %swap3A_109 = arith.index_cast %swap3A_108 : i32 to index
      %swap3A_110 = arith.index_cast %multiple_of3A : i32 to index
      %swap3A_111 = tpu.vector_load %arg8[%swap3A_109, %swap3A_110] {strides = array<i32>} : memref<16x1024xf32, #tpu.memory_space<vmem>>, vector<16xf32>,
      tpu.vector_store %arg8[%swap3A_109, %swap3A_110], %add3A_107 {strides = array<i32>} : memref<16x1024xf32, #tpu.memory_space<vmem>>, vector<16xf32>,
    }
    %scan3A_93 = arith.constant 64 : i32
    %mul3A_94 = arith.constant 8 : i32
    %mul3A_95 = arith.muli %add3A, %mul3A_94 : i32
    "tpu.region"() ({
      %run_scoped3A = tpu.sem_alloc : memref<!tpu.dma_semaphore, #tpu.memory_space<semaphore_mem>>
      %dma_start3A_96 = arith.constant 0 : i32
      %dma_start3A_97 = arith.constant 0 : i32
      %dma_start3A_98 = tpu.memref_slice %arg8[%dma_start3A_96, %dma_start3A_97] : memref<16x1024xf32, #tpu.memory_space<vmem>> -> memref<1x1024xf32, #tpu.memory_space<vmem>>
      %dma_start3A_99 = arith.constant 0 : i32
      %dma_start3A_100 = tpu.memref_slice %arg5[%mul3A_95, %dma_start3A_99] : memref<256x1024xf32, #tpu.memory_space<hbm>> -> memref<1x1024xf32, #tpu.memory_space<hbm>>
      %dma_start3A_101 = arith.constant 0 : i32
      %dma_start3A_102 = tpu.memref_slice %arg5[%mul3A_95, %dma_start3A_101] : memref<256x1024xf32, #tpu.memory_space<hbm>> -> memref<1x1024xf32, #tpu.memory_space<hbm>>
      %dma_start3A_103 = arith.constant 0 : i32
      %dma_start3A_104 = arith.constant 0 : i32
      %dma_start3A_105 = tpu.memref_slice %arg8[%dma_start3A_103, %dma_start3A_104] : memref<16x1024xf32, #tpu.memory_space<vmem>> -> memref<1x1024xf32, #tpu.memory_space<vmem>>
      tpu.enqueue_dma source(%dma_start3A_105 : memref<1x1024xf32, #tpu.memory_space<vmem>>) target(%dma_start3A_102 : memref<1x1024xf32, #tpu.memory_space<hbm>>) target_semaphore(%run_scoped3A : memref<!tpu.dma_semaphore, #tpu.memory_space<semaphore_mem>>)
      %dma_wait3A_106 = arith.constant 0 : i32
      %dma_wait3A_107 = arith.constant 0 : i32
      %dma_wait3A_108 = tpu.memref_slice %arg8[%dma_wait3A_106, %dma_wait3A_107] : memref<16x1024xf32, #tpu.memory_space<vmem>> -> memref<1x1024xf32, #tpu.memory_space<vmem>>
      %dma_wait3A_109 = arith.constant 0 : i32
      %dma_wait3A_110 = tpu.memref_slice %arg5[%mul3A_95, %dma_wait3A_109] : memref<256x1024xf32, #tpu.memory_space<hbm>> -> memref<1x1024xf32, #tpu.memory_space<hbm>>
      %dma_wait3A_111 = arith.constant 0 : i32
      %dma_wait3A_112 = tpu.memref_slice %arg5[%mul3A_95, %dma_wait3A_111] : memref<256x1024xf32, #tpu.memory_space<hbm>> -> memref<1x1024xf32, #tpu.memory_space<hbm>>
      %dma_wait3A_113 = arith.constant 0 : i32
      %dma_wait3A_114 = arith.constant 0 : i32
      %dma_wait3A_115 = tpu.memref_slice %arg8[%dma_wait3A_113, %dma_wait3A_114] : memref<16x1024xf32, #tpu.memory_space<vmem>> -> memref<1x1024xf32, #tpu.memory_space<vmem>>
      tpu.wait_dma2 semaphore(%run_scoped3A : memref<!tpu.dma_semaphore, #tpu.memory_space<semaphore_mem>>) src(%dma_wait3A_115 : memref<1x1024xf32, #tpu.memory_space<vmem>>) dst(%dma_wait3A_112 : memref<1x1024xf32, #tpu.memory_space<hbm>>)
      tpu.yield
    }) : () -> ()
    return
  }
}

module attributes {stable_mosaic.version = 14 : i64} {
  func.func @_copy_graft_body(%arg0: i32, %arg1: memref<32xi32, #tpu.memory_space<smem>>, %arg2: memref<8x1024xf32, #tpu.memory_space<vmem>>, %arg3: memref<2048x1024xf32, #tpu.memory_space<vmem>>, %arg4: memref<2048x1024xf32, #tpu.memory_space<vmem>>) attributes {dimension_semantics = [#tpu.dimension_semantics<parallel>], iteration_bounds = array<i64: 32>, scalar_prefetch = 0 : i64, scratch_operands = 0 : i64, tpu.core_type = #tpu.core_type<tc>, window_params = [{transform_indices = @transform_0, window_bounds = array<i64: 32>}, {transform_indices = @transform_1, window_bounds = array<i64: 8, 1024>}, {transform_indices = @transform_2, window_bounds = array<i64: 2048, 1024>}, {transform_indices = @transform_3, window_bounds = array<i64: 2048, 1024>}]} {
    %get3A = arith.constant 0 : index
    %get3A_0 = arith.constant 0 : index
    %get3A_1 = vector.load %arg3[%get3A, %get3A_0] : memref<2048x1024xf32, #tpu.memory_space<vmem>>, vector<2048x1024xf32>
    %swap3A = arith.constant 0 : index
    %swap3A_2 = arith.constant 0 : index
    %swap3A_3 = vector.load %arg4[%swap3A, %swap3A_2] : memref<2048x1024xf32, #tpu.memory_space<vmem>>, vector<2048x1024xf32>
    tpu.vector_store %arg4[%swap3A, %swap3A_2], %get3A_1 {strides = array<i32>} : memref<2048x1024xf32, #tpu.memory_space<vmem>>, vector<2048x1024xf32>,
    %get3A_4 = arith.index_cast %arg0 : i32 to index
    %get3A_5 = memref.load %arg1[%get3A_4] : memref<32xi32, #tpu.memory_space<smem>>
    %get3A_6 = arith.constant 0 : index
    %get3A_7 = arith.constant 0 : index
    %get3A_8 = vector.load %arg2[%get3A_6, %get3A_7] : memref<8x1024xf32, #tpu.memory_space<vmem>>, vector<1x1024xf32>
    %swap3A_9 = arith.index_cast %get3A_5 : i32 to index
    %swap3A_10 = arith.constant 0 : index
    %swap3A_11 = vector.load %arg4[%swap3A_9, %swap3A_10] : memref<2048x1024xf32, #tpu.memory_space<vmem>>, vector<1x1024xf32>
    tpu.vector_store %arg4[%swap3A_9, %swap3A_10], %get3A_8 {strides = array<i32>} : memref<2048x1024xf32, #tpu.memory_space<vmem>>, vector<1x1024xf32>,
    return
  }
  func.func @transform_0(%arg0: i32) -> i32 {
    %c0_i32 = arith.constant 0 : i32
    %c0_i32_0 = arith.constant 0 : i32
    return %c0_i32 : i32
  }
  func.func @transform_1(%arg0: i32) -> (i32, i32) {
    %c0_i32 = arith.constant 0 : i32
    %c0_i32_0 = arith.constant 0 : i32
    return %arg0, %c0_i32 : i32, i32
  }
  func.func @transform_2(%arg0: i32) -> (i32, i32) {
    %c0_i32 = arith.constant 0 : i32
    %c0_i32_0 = arith.constant 0 : i32
    return %arg0, %c0_i32 : i32, i32
  }
  func.func @transform_3(%arg0: i32) -> (i32, i32) {
    %c0_i32 = arith.constant 0 : i32
    %c0_i32_0 = arith.constant 0 : i32
    return %arg0, %c0_i32 : i32, i32
  }
}

</mosaic_0001>

<sc_bundles>
// kernel: kernel.4.cloned.1.call-start
scs
__scs_entry_jumppad:
0x0: {  	(pc) =	sbr.rel $0x88, $3  }
0x1: {  	(tag) =	ssettag $0x0;
	lr =	simm.s32 $0x1  }
0x2: {  	[smem:$0x3F9E] =	sst lr;
	_ =	strace $0xD0000000  }
0x3: {  	_ = 	snop  }
0x4: {  	_ = 	snop  }
0x5: {  	_ = 	snop  }
0x6: {  	_ = 	snop  }
0x7: {  	_ = 	snop  }
__scs_overlays_trampoline_lowered:
0x8: {  	[smem:$0x3FAD] =	sst s0  }
0x9: {  	[smem:$0x3FAE] =	sst s1  }
0xa: {  	[smem:$0x3FAF] =	sst s2  }
0xb: {  	[smem:$0x3FB0] =	sst s3  }
0xc: {  	[smem:$0x3FB1] =	sst s4  }
0xd: {  	[smem:$0x3FB2] =	sst s5  }
0xe: {  	[smem:$0x3FB3] =	sst s6  }
0xf: {  	[smem:$0x3FB4] =	sst s7  }
0x10: {  	[smem:$0x3FB5] =	sst s8  }
0x11: {  	[smem:$0x3FB6] =	sst s9;
	s0 =	simm.s32 @!p0 $0x0  }
0x12: {  	s1 =	sld [smem:$0x3F9C];
	s0 =	simm.s32 @p0 $0x1  }
0x13: {  	[smem:$0x3FB7] =	sst s0;
	s0 =	simm.s32 @!p1 $0x0  }
0x14: {  	s2 =	sld [smem:$0x3F9B];
	s0 =	simm.s32 @p1 $0x1  }
0x15: {  	[smem:$0x3FB8] =	sst s0;
	s0 =	simm.s32 @!p2 $0x0  }
0x16: {  	s3 =	sld [smem:$0x3FDB];
	s0 =	simm.s32 @p2 $0x1  }
0x17: {  	s4 =	simm.s32 $0x1BF5;
	[smem:$0x3FBA] =	sst s0  }
0x18: {  	s0 =	sld [smem:$0x3F9D];
	_ =	swait.ge [sflag:s4], $0x0  }
0x19: {  	s7 =	sld [smem:$0x3F9E]  }
0x1a: {  	s8 =	sadd.s32 $0xFFFFE003, lr  }
0x1b: {  	s9 =	sadd.s32 $0xFFFFFEF7, lr;
	s5 =	simm.s32 $0xFFFFFFFF;
	p2 =	slt.u32 s8, $0xFFFFF086  }
0x1c: {  	p1 =	slt.u32 s9, $0xF7A;
	s5 =	simm.s32 @!p2 $0x0  }
0x1d: {  	s5 =	simm.s32 @p1 $0x1;
	p0 =	seq.s32 s7, s2  }
0x1e: {  	s7 =	smul.u32 @!p0 $0xF7A, s2;
	p2 =	seq.s32 @!p0 s5, $0x0  }
0x1f: {  	s9 =	smul.u32 $0xF7A, s1;
	s8 =	simm.s32 @!p0 $0x1BF5;
	p2 =	por !p2, p0  }
0x20: {  	[sflag:s8] =	ssyncset.s32 @!p0 $0xFFFFF086;
	s6 =	sadd.s32 @!p0 s3, s7;
	s7 =	simm.s32 @!p0 $0x108  }
0x21: {  	s3 =	sadd.s32 s3, s9;
	s6 =	sadd.s32 @!p0 $0x88, s6;
	s7 =	simm.s32 @p2 $0x1082  }
0x22: {  	[simem:s7], [sflag:s8] =	dma.local @!p0 [hbm:s6], $0xF7A  }
0x23: {  	s9 =	sor.u32 $0xD0000000, s2;
	s6 =	simm.s32 $0x108;
	_ =	swait.ge @!p0 [sflag:s8], $0x0  }
0x24: {  	s3 =	sadd.s32 $0x88, s3;
	s6 =	simm.s32 @!p1 $0x1082;
	[sflag:s4] =	ssyncset.s32 $0xFFFFF086  }
0x25: {  	[simem:s6], [sflag:s4] =	dma.local [hbm:s3], $0xF7A  }
0x26: {  	[smem:$0x3F9E] =	sst s1;
	(tag) =	ssettag s2;
	_ =	strace s9  }
0x27: {  	s1 =	sld [smem:$0x3FAE]  }
0x28: {  	s2 =	sld [smem:$0x3FAF]  }
0x29: {  	s4 =	sld [smem:$0x3FB1]  }
0x2a: {  	p0 =	seq.s32 s5, $0x0;
	s5 =	sld [smem:$0x3FB2]  }
0x2b: {  	s6 =	sld [smem:$0x3FB3]  }
0x2c: {  	s7 =	sld [smem:$0x3FB4]  }
0x2d: {  	s3 =	simm.s32 $0x108;
	s8 =	sld [smem:$0x3FB5]  }
0x2e: {  	s3 =	simm.s32 @!p0 $0x1082;
	s9 =	sld [smem:$0x3FB6]  }
0x2f: {  	lr =	sadd.s32 s0, s3;
	s0 =	sld [smem:$0x3FAD]  }
0x30: {  	s3 =	sld [smem:$0x3FB0]  }
0x31: {  	[smem:$0x3FB9] =	sst s10  }
0x32: {  	s10 =	sld [smem:$0x3FB7];
	_ =	sdelay $0x3  }
0x33: {  	p0 =	seq.s32 s10, $0x1;
	s10 =	sld [smem:$0x3FB9];
	_ =	sdelay $0x3  }
0x34: {  	[smem:$0x3FB9] =	sst s10  }
0x35: {  	s10 =	sld [smem:$0x3FB8];
	_ =	sdelay $0x3  }
0x36: {  	p1 =	seq.s32 s10, $0x1;
	s10 =	sld [smem:$0x3FB9];
	_ =	sdelay $0x3  }
0x37: {  	[smem:$0x3FB9] =	sst s10  }
0x38: {  	s10 =	sld [smem:$0x3FBA]  }
0x39: {  	_ = 	snop;
	(pc) =	sbr.ind lr, $3  }
0x3a: {  	_ = 	snop  }
0x3b: {  	_ = 	snop  }
0x3c: {  	p2 =	seq.s32 s10, $0x1;
	s10 =	sld [smem:$0x3FB9]  }
0x3d: {  	_ =	shalt  }
0x3e: {  	_ =	shalt  }
0x3f: {  	_ =	shalt  }
0x40: {  	_ =	shalt  }
0x41: {  	_ =	shalt  }
0x42: {  	_ =	shalt  }
0x43: {  	_ =	shalt  }
0x44: {  	_ =	shalt  }
0x45: {  	_ =	shalt  }
0x46: {  	_ =	shalt  }
0x47: {  	_ =	shalt  }
0x48: {  	_ =	shalt  }
0x49: {  	_ =	shalt  }
0x4a: {  	_ =	shalt  }
0x4b: {  	_ =	shalt  }
0x4c: {  	_ =	shalt  }
0x4d: {  	_ =	shalt  }
0x4e: {  	_ =	shalt  }
0x4f: {  	_ =	shalt  }
0x50: {  	_ =	shalt  }
0x51: {  	_ =	shalt  }
0x52: {  	_ =	shalt  }
0x53: {  	_ =	shalt  }
0x54: {  	_ =	shalt  }
0x55: {  	_ =	shalt  }
0x56: {  	_ =	shalt  }
0x57: {  	_ =	shalt  }
0x58: {  	_ =	shalt  }
0x59: {  	_ =	shalt  }
0x5a: {  	_ =	shalt  }
0x5b: {  	_ =	shalt  }
0x5c: {  	_ =	shalt  }
0x5d: {  	_ =	shalt  }
0x5e: {  	_ =	shalt  }
0x5f: {  	_ =	shalt  }
0x60: {  	_ =	shalt  }
0x61: {  	_ =	shalt  }
0x62: {  	_ =	shalt  }
0x63: {  	_ =	shalt  }
0x64: {  	_ =	shalt  }
0x65: {  	_ =	shalt  }
0x66: {  	_ =	shalt  }
0x67: {  	_ =	shalt  }
0x68: {  	_ =	shalt  }
0x69: {  	_ =	shalt  }
0x6a: {  	_ =	shalt  }
0x6b: {  	_ =	shalt  }
0x6c: {  	_ =	shalt  }
0x6d: {  	_ =	shalt  }
0x6e: {  	_ =	shalt  }
0x6f: {  	_ =	shalt  }
0x70: {  	_ =	shalt  }
0x71: {  	_ =	shalt  }
0x72: {  	_ =	shalt  }
0x73: {  	_ =	shalt  }
0x74: {  	_ =	shalt  }
0x75: {  	_ =	shalt  }
0x76: {  	_ =	shalt  }
0x77: {  	_ =	shalt  }
0x78: {  	_ =	shalt  }
0x79: {  	_ =	shalt  }
0x7a: {  	_ =	shalt  }
0x7b: {  	_ =	shalt  }
0x7c: {  	_ =	shalt  }
0x7d: {  	_ =	shalt  }
0x7e: {  	_ =	shalt  }
0x7f: {  	_ =	shalt  }
0x80: {  	_ =	shalt  }
0x81: {  	_ =	shalt  }
0x82: {  	_ =	shalt  }
0x83: {  	_ =	shalt  }
0x84: {  	_ =	shalt  }
0x85: {  	_ =	shalt  }
0x86: {  	_ =	shalt  }
0x87: {  	_ =	shalt  }
.Lfunc_end0:
.L_simem_size_0:
called_computation_lowered:
.L_overlay_start_0:
0x88: {  	s2 =	sld [smem:$0x3FD9]  }
0x89: {  	s3 =	sld [smem:$0x3FFE];
	_ =	sdelay $0x1  }
0x8a: {  	s1 =	srdreg.scid  }
0x8b: {  	s0 =	sand.u32 $0x1, s1  }
0x8c: {  	s18 =	sshll.u32 s0, $0xA;
	s2 =	sadd.s32 s3, s2  }
0x8d: {  	s2 =	sadd.s32 s2, s18  }
0x8e: {  	[smem:$0x3FC5] =	sst s2  }
0x8f: {  	_ = 	snop  }
0x90: {  	s2 =	sld [smem:$0x3FC9]  }
0x91: {  	s19 =	sld [smem:$0x3FC8]  }
0x92: {  	s4 =	sld [smem:$0x3FC7]  }
0x93: {  	s5 =	sld [smem:$0x3FD0];
	(tm) =	ssettm $0x1  }
0x94: {  	s6 =	sld [smem:$0x3FFB];
	_ =	sdelay $0x3  }
0x95: {  	_ =	strace s6  }
0x96: {  	s6 =	sld [smem:$0x3FFC];
	_ =	sdelay $0x3  }
0x97: {  	_ =	strace s6  }
0x98: {  	s6 =	sld [smem:$0x3FFD];
	_ =	sdelay $0x3  }
0x99: {  	_ =	strace s6  }
0x9a: {  	_ =	strace $0x8FFFFFFF  }
0x9b: {  	s20 =	sld [smem:$0x3FDB];
	_ =	sdelay $0x1  }
0x9c: {  	s7 =	simm.s32 $_scs_section_size  }
0x9d: {  	s8 =	simm.s32 $_size__tile_overlayer_lowered;
	s9 =	simm.s32 $_tile_overlayer_lowered  }
0x9e: {  	s23 =	simm.s32 $0x1BFF;
	s22 =	sshll.u32 s9, $0x1;
	s6 =	sadd.s32 s7, s20  }
0x9f: {  	s10 =	simm.s32 $0x0;
	s21 =	sshll.u32 s8, $0x1;
	s8 =	sadd.s32 s22, s6  }
0xa0: {  	[timem:s10], [sflag:s23] =	dma.local [hbm:s8], s21  }
0xa1: {  	_ =	swait.ge [sflag:s23], s21  }
0xa2: {  	s7 =	ssub.s32 $0x0, s21;
	[sflag:s23] =	ssyncset.done $0x0  }
0xa3: {  	[sflag:s23] =	ssyncadd.s32 s7;
	_ =	sdelay $0x1  }
0xa4: {  	s24 =	simm.s32 $0x1B8B  }
0xa5: {  	_ =	swait.ge [sflag:s24], $0x1  }
0xa6: {  	[sflag:s24] =	ssyncset.done $0x0  }
0xa7: {  	s25 =	simm.s32 $0x1B8E;
	[sflag:s24] =	ssyncadd.s32 $0xFFFFFFFF  }
0xa8: {  	s26 =	simm.s32 $execute0_lowered;
	[smem:$0x3FD2] =	sst s25  }
0xa9: {  	s7 =	sshll.u32 s26, $0x1;
	_ =	strace $0x80000046;
	[dreg:$0x1] =	wrdreg $0xFFFFFFFF  }
0xaa: {  	s28 =	simm.s32 $_size_execute0_lowered;
	s6 =	sadd.s32 s6, s7;
	[dreg:$0x0] =	wrdreg $0x0  }
0xab: {  	s7 =	sshll.u32 s28, $0x1;
	[dreg:$0x2] =	wrdreg s6  }
0xac: {  	[dreg:$0x3] =	wrdreg s7  }
0xad: {  	[dreg:$0x4] =	wrdreg $0xC0  }
0xae: {  	_ =	task [dreg:s10], $0x5FFFF  }
0xaf: {  	[dreg:$0x1] =	wrdreg $0xFFFFFFFF  }
0xb0: {  	[dreg:$0x0] =	wrdreg $0x60  }
0xb1: {  	[dreg:$0x2] =	wrdreg s2  }
0xb2: {  	[dreg:$0x3] =	wrdreg s19  }
0xb3: {  	[dreg:$0x4] =	wrdreg s4  }
0xb4: {  	[dreg:$0x5] =	wrdreg s5  }
0xb5: {  	[dreg:$0x6] =	wrdreg $0x9  }
0xb6: {  	_ =	task.clear_ibuf [dreg:s10], $0x7FFFF;
	_ =	strace $0x90000046  }
0xb7: {  	s29 =	simm.s32 $0x9;
	_ =	strace $0x80000048  }
0xb8: {  	_ =	swait.ge [sflag:s29], $0x1  }
0xb9: {  	[sflag:s29] =	ssyncadd.s32 $0xFFFFFFFF  }
0xba: {  	_ =	strace $0x90000048  }
0xbb: {  	_ =	sfence  }
0xbc: {  	s30 =	sld [smem:$0x0];
	_ =	sdelay $0x2  }
0xbd: {  	s31 =	sshll.u32 s1, $0xD;
	s1 =	sshrl.u32 s1, $0x2  }
0xbe: {  	s3 =	sand.u32 $0x4000, s31;
	s1 =	sadd.s32 s1, s30  }
0xbf: {  	s0 =	sor.u32 s3, s0;
	s1 =	sshll.u32 s1, $0x11  }
0xc0: {  	s0 =	sor.u32 s1, s0  }
0xc1: {  	s0 =	sadd.s32 $0x8F2B, s0  }
0xc2: {  	[sflag:s0] =	ssyncadd.remote.s32 $0x1  }
0xc3: {  	_ =	sfence.sel $0xFFFF  }
0xc4: {  	[dreg:$0x0] =	wrdreg $0xFFFFFFFF;
	(pc) =	sbr.abs _section_cstart, $3  }
0xc5: {  	[dreg:$0x1] =	wrdreg $0xFFFFFFFF  }
0xc6: {  	_ =	task.clear_ibuf [dreg:s10], $0x2FFFF;
	_ =	strace $0x9FFFFFFF  }
0xc7: {  	(tm) =	ssettm $0x7FFFFFFF  }
tec
execute0_lowered:
.L_overlay_start_1:
0x0: {  	(tag) =	ssettag $0x1  }
0x1: {  	s1 =	rddreg [dreg:$0x0];
	v0 =	vimm.s32 $0xEFCDAB89  }
0x2: {  	s0 =	srdreg.scid;
	s2 =	rddreg [dreg:$0x2];
	v1 =	vimm.s32 $0x67452301;
	vm0 =	vmmov $0xffff;
	v4 =	vimm.s32 $0xDCFE98BA  }
0x3: {  	s3 =	stileid.u32;
	s9 =	rddreg [dreg:$0x3];
	s4 =	simm.s32 $0x0;
	v5 =	vimm.s32 $0x54761032;
	v2 =	vunpack.c.l.s4.s8 v0;
	v3 =	vunpack.c.l.s4.s8 v1  }
0x4: {  	v6 =	vimm.s32 $0xBA98FEDC;
	v7 =	vimm.s32 $0x32107654;
	s11 =	simm.s32 $0x2;
	v9 =	vlaneseq.u32;
	s0 =	sand.u32 $0x1, s0;
	s3 =	sshll.u32 s3, $0x1  }
0x5: {  	s15 =	simm.s32 $0x100;
	s16 =	simm.s32 $0x900;
	v4 =	vunpack.c.l.s4.s8 v4;
	s3 =	sor.u32 s0, s3;
	v2 =	vunpack.c.0.s8.s32 v2;
	v3 =	vunpack.c.0.s8.s32 v3  }
0x6: {  	s17 =	simm.s32 $0x1100;
	s18 =	simm.s32 $0x1900;
	s20 =	simm.s32 $0x2900;
	v5 =	vunpack.c.l.s4.s8 v5;
	v6 =	vunpack.c.l.s4.s8 v6;
	v0 =	vmov s3  }
0x7: {  	s21 =	simm.s32 $0x3100;
	s22 =	simm.s32 $0x3900;
	s23 =	simm.s32 $0x1;
	v8 =	vcombine.low v3, v2;
	v2 =	vunpack.c.0.s8.s32 v4;
	v3 =	vunpack.c.l.s4.s8 v7  }
0x8: {  	s24 =	simm.s32 $0x4500;
	s29 =	simm.s32 $0xD00;
	s5 =	sshll.u32 s3, $0xB;
	v4 =	vunpack.c.0.s8.s32 v5;
	v5 =	vunpack.c.0.s8.s32 v6;
	v6 =	vimm.s32 $0xFEDCBA98  }
0x9: {  	s30 =	simm.s32 $0x1500;
	s31 =	simm.s32 $0x1D00;
	[smem:$0x7FF] =	sst s4;
	v1 =	vmov s5;
	v7 =	vimm.s32 $0x76543210;
	v6 =	vunpack.c.l.s4.s8 v6  }
0xa: {  	s6 =	sadd.s32 $0x100, s1;
	s7 =	sadd.s32 $0x200, s1;
	s0 =	ssub.s32 $0x2, s0;
	v3 =	vunpack.c.0.s8.s32 v3;
	v10 =	vcombine.low v4, v2;
	v4 =	vunpack.c.l.s4.s8 v7  }
0xb: {  	s8 =	sadd.s32 $0x300, s1;
	_ =	strace $0x80000047;
	s25 =	sshrl.u32 s0, $0x1;
	v7 =	vshrl.u32 v9, $0x3;
	v2 =	vand.u32 $0x7, v9;
	v6 =	vunpack.c.0.s8.s32 v6  }
0xc: {  	s26 =	sshll.u32 s3, $0xA;
	s3 =	simm.s32 $0x0;
	s0 =	ssub.s32 s0, s25;
	v11 =	vcombine.low v3, v5;
	v3 =	vmul.u32 $0x8, v7;
	v12 =	vunpack.c.0.s8.s32 v4  }
0xd: {  	s5 =	sadd.s32 $0x181C10, s2;
	s9 =	sadd.s32 s9, s26;
	s26 =	simm.s32 $0x500;
	v4 =	vor.u32 $0x8, v9;
	v5 =	vand.u32 $0xF, v8;
	v8 =	vand.u32 $0xF, v6  }
0xe: {  	s10 =	smax.u32 s0, $0x1;
	s25 =	sadd.s32 $0x80, s9;
	s28 =	sadd.s32 $0x100, s9;
	v6 =	vand.u32 $0xF, v10;
	v7 =	vand.u32 $0xF, v11;
	v8 =	vcombine.low v8, v12  }
.LBB2_1:
0xf: {  	s0 =	rddreg [dreg:$0x1]  }
0x10: {  	[tilespmem:s4], [sflag:$0x2] =	stream.linear.gather [hbm4b:s0+s4], $0x80, $0x38;
	[tilespmem:$0x4580] =	vst v63  }
0x11: {  	_ =	swait.ge [sflag:s11], $0x80  }
0x12: {  	s13 =	simm.s32 $0x80;
	[sflag:s11] =	ssyncset.done $0x0  }
0x13: {  	s2 =	simm.s32 $0x400;
	s12 =	simm.s32 $0x4100;
	[sflag:s11] =	ssyncadd.s32 $0xFFFFFF80  }
0x14: {  	[tilespmem:s12], [sflag:$0x2] =	stream.strided.gather [hbm4b:s5+s13], $0x400, s2, s13, $0x38;
	[tilespmem:$0x4580] =	vst v63  }
0x15: {  	_ =	swait.ge [sflag:s11], $0x400  }
0x16: {  	[sflag:s11] =	ssyncset.done $0x0  }
0x17: {  	[sflag:s11] =	ssyncadd.s32 $0xFFFFFC00  }
0x18: {  	v9 =	vld.idx.msk [tilespmem:v0+s4+$0x0], $0xffff;
	_ =	sdelay $0x4  }
0x19: {  	v10 =	vadd.s32 v1, v9  }
0x1a: {  	v11 =	vshll.u32 v10, $0x3  }
0x1b: {  	v9 =	vand.u32 $0x7, v9;
	v11 =	vand.u32 $0xFFFFFFC0, v11  }
0x1c: {  	v9 =	vor.u32 v9, v11  }
0x1d: {  	v11 =	vperm.xlane v9, v2;
	_ =	sdelay $0x1  }
0x1e: {  	v11 =	vadd.s32 v3, v11;
	_ =	sdelay $0x3  }
0x1f: {  	[tilespmem:$0x80] =	vst v10  }
0x20: {  	[tilespmem:s15], [sflag:$0x1] =	stream.indirect_vreg.gather [hbm4b:s1+s4], $0x80, v11, vm0, $0xb8;
	[tilespmem:$0x4580] =	vst v63  }
0x21: {  	v9 =	vperm.xlane v9, v4  }
0x22: {  	[tilespmem:s16], [sflag:$0x1] =	stream.indirect_vreg.gather [hbm4b:s6+s4], $0x80, v11, vm0, $0xb8;
	[tilespmem:$0x4580] =	vst v63  }
0x23: {  	v9 =	vadd.s32 v3, v9  }
0x24: {  	[tilespmem:s17], [sflag:$0x1] =	stream.indirect_vreg.gather [hbm4b:s7+s4], $0x80, v11, vm0, $0xb8;
	[tilespmem:$0x4580] =	vst v63  }
0x25: {  	_ = 	snop  }
0x26: {  	[tilespmem:s18], [sflag:$0x1] =	stream.indirect_vreg.gather [hbm4b:s8+s4], $0x80, v11, vm0, $0xb8;
	[tilespmem:$0x4580] =	vst v63  }
0x27: {  	s14 =	simm.s32 $0x2100  }
0x28: {  	[tilespmem:s14], [sflag:$0x1] =	stream.indirect_vreg.gather [hbm4b:s1+s4], $0x80, v9, vm0, $0xb8;
	[tilespmem:$0x4580] =	vst v63  }
0x29: {  	_ = 	snop  }
0x2a: {  	[tilespmem:s20], [sflag:$0x1] =	stream.indirect_vreg.gather [hbm4b:s6+s4], $0x80, v9, vm0, $0xb8;
	[tilespmem:$0x4580] =	vst v63  }
0x2b: {  	_ = 	snop  }
0x2c: {  	[tilespmem:s21], [sflag:$0x1] =	stream.indirect_vreg.gather [hbm4b:s7+s4], $0x80, v9, vm0, $0xb8;
	[tilespmem:$0x4580] =	vst v63  }
0x2d: {  	_ = 	snop  }
0x2e: {  	[tilespmem:s22], [sflag:$0x1] =	stream.indirect_vreg.gather [hbm4b:s8+s4], $0x80, v9, vm0, $0xb8;
	[tilespmem:$0x4580] =	vst v63  }
0x2f: {  	_ =	swait.ge [sflag:s23], $0x4000  }
0x30: {  	[sflag:s23] =	ssyncset.done $0x0  }
0x31: {  	s19 =	simm.s32 $0x0;
	[sflag:s23] =	ssyncadd.s32 $0xFFFFC000  }
0x32: {  	v10 =	vld [tilespmem:s19+$0x4100]  }
0x33: {  	s0 =	simm.s32 $0x40;
	v9 =	vimm.f32 $0.0e+00  }
.LBB2_2:
0x34: {  	p0 =	sne.s32 s0, $0xFC0  }
.Ltmp0:
0x35: {  	_ = 	snop;
	(pc) =	sbr.rel @p0 .LBB2_2-.Ltmp0, $4  }
0x36: {  	_ = 	snop  }
0x37: {  	s2 =	sshra.s32 s0, $0x2;
	s0 =	sadd.s32 $0x40, s0;
	v11 =	vmul.f32 v10, v10  }
0x38: {  	v10 =	vld [tilespmem:s2+$0x4100]  }
0x39: {  	v9 =	vadd.f32 v11, v9  }
0x3a: {  	_ =	sdelay $0x2  }
0x3b: {  	v10 =	vmul.f32 v10, v10;
	_ =	sdelay $0x1  }
0x3c: {  	v9 =	vadd.f32 v10, v9;
	_ =	sdelay $0x1  }
0x3d: {  	[tilespmem:$0x4500] =	vst v9  }
0x3e: {  	v10 =	vld.idx.msk [tilespmem:v5+s24+$0x0], $0xffff;
	_ =	sdelay $0x4  }
0x3f: {  	v9 =	vadd.f32 v10, v9;
	_ =	sdelay $0x1  }
0x40: {  	[tilespmem:$0x4500] =	vst v9  }
0x41: {  	v10 =	vld.idx.msk [tilespmem:v6+s24+$0x0], $0xffff;
	_ =	sdelay $0x4  }
0x42: {  	v9 =	vadd.f32 v10, v9;
	_ =	sdelay $0x1  }
0x43: {  	[tilespmem:$0x4500] =	vst v9  }
0x44: {  	v10 =	vld.idx.msk [tilespmem:v7+s24+$0x0], $0xffff;
	_ =	sdelay $0x4  }
0x45: {  	v9 =	vadd.f32 v10, v9;
	_ =	sdelay $0x1  }
0x46: {  	[tilespmem:$0x4500] =	vst v9  }
0x47: {  	v10 =	vld.idx.msk [tilespmem:v8+s24+$0x0], $0xffff;
	_ =	sdelay $0x4  }
0x48: {  	v9 =	vadd.f32 v10, v9;
	_ =	sdelay $0x1  }
0x49: {  	v10 =	vshra.s32 v9, $0x1;
	v9 =	vmul.f32 $5.000000000e-01, v9  }
0x4a: {  	v10 =	vsub.s32 $0x5F3759DF, v10  }
0x4b: {  	v11 =	vmul.f32 v10, v9;
	_ =	sdelay $0x1  }
0x4c: {  	v11 =	vmul.f32 v10, v11;
	_ =	sdelay $0x1  }
0x4d: {  	v11 =	vsub.f32 $1.500000000e+00, v11;
	_ =	sdelay $0x1  }
0x4e: {  	v10 =	vmul.f32 v10, v11;
	_ =	sdelay $0x1  }
0x4f: {  	v11 =	vmul.f32 v10, v9;
	_ =	sdelay $0x1  }
0x50: {  	v11 =	vmul.f32 v11, v10;
	_ =	sdelay $0x1  }
0x51: {  	v11 =	vsub.f32 $1.500000000e+00, v11;
	_ =	sdelay $0x1  }
0x52: {  	v10 =	vmul.f32 v11, v10;
	_ =	sdelay $0x1  }
0x53: {  	v11 =	vmul.f32 v10, v9;
	_ =	sdelay $0x1  }
0x54: {  	v11 =	vmul.f32 v11, v10;
	_ =	sdelay $0x1  }
0x55: {  	v11 =	vsub.f32 $1.500000000e+00, v11;
	_ =	sdelay $0x1  }
0x56: {  	v10 =	vmul.f32 v11, v10;
	_ =	sdelay $0x1  }
0x57: {  	v9 =	vmul.f32 v10, v9;
	_ =	sdelay $0x1  }
0x58: {  	v9 =	vmul.f32 v9, v10;
	_ =	sdelay $0x1  }
0x59: {  	v9 =	vsub.f32 $1.500000000e+00, v9;
	_ =	sdelay $0x1  }
0x5a: {  	v9 =	vmul.f32 v9, v10  }
0x5b: {  	s2 =	simm.s32 $0x0;
	s0 =	simm.s32 $0x4100  }
0x5c: {  	s12 =	simm.s32 $0x10;
	s13 =	simm.s32 $0x0;
	s14 =	sand.u32 $0x7000, s2;
	v9 =	vmul.f32 $1.800000000e+01, v9  }
.LBB2_4:
0x5d: {  	p0 =	sne.s32 s12, $0x3F0;
	s2 =	sand.u32 $0x70, s2;
	s14 =	sshrl.u32 s14, $0x2;
	v10 =	vld [tilespmem:s0+$0x0]  }
0x5e: {  	s19 =	sor.u32 s2, s14;
	s2 =	smov.u32 s12  }
0x5f: {  	v11 =	vld [tilespmem:s19+$0x100];
	_ =	sdelay $0x2  }
.Ltmp1:
0x60: {  	v10 =	vmul.f32 v10, v9;
	(pc) =	sbr.rel @p0 .LBB2_4-.Ltmp1, $4  }
0x61: {  	_ = 	snop  }
0x62: {  	v10 =	vadd.f32 v10, v11  }
0x63: {  	s13 =	sadd.s32 $0x200, s13  }
0x64: {  	s0 =	sadd.s32 $0x10, s0;
	s14 =	sand.u32 $0x7000, s13;
	s12 =	sadd.s32 $0x10, s12;
	[tilespmem:s19+$0x100] =	vst v10  }
0x65: {  	s2 =	sand.u32 $0x70, s2;
	s12 =	sshrl.u32 s14, $0x2;
	v10 =	vld [tilespmem:s0+$0x0]  }
0x66: {  	s19 =	sor.u32 s2, s12  }
0x67: {  	v11 =	vld [tilespmem:s19+$0x100];
	_ =	sdelay $0x2  }
0x68: {  	v9 =	vmul.f32 v10, v9;
	_ =	sdelay $0x1  }
0x69: {  	v9 =	vadd.f32 v9, v11;
	_ =	sdelay $0x1  }
0x6a: {  	[tilespmem:s19+$0x100] =	vst v9  }
0x6b: {  	[hbm4b:s9+s4] =	stream.linear.scatter [tilespmem:s15], [sflag:$0x2], $0x80, $0x38;
	[tilespmem:$0x4580] =	vst v63  }
0x6c: {  	_ = 	snop  }
0x6d: {  	[hbm4b:s25+s4] =	stream.linear.scatter [tilespmem:s26], [sflag:$0x2], $0x80, $0x38;
	[tilespmem:$0x4580] =	vst v63  }
0x6e: {  	_ = 	snop  }
0x6f: {  	[hbm4b:s28+s4] =	stream.linear.scatter [tilespmem:s16], [sflag:$0x2], $0x80, $0x38;
	[tilespmem:$0x4580] =	vst v63  }
0x70: {  	s2 =	sadd.s32 $0x180, s9  }
0x71: {  	[hbm4b:s2+s4] =	stream.linear.scatter [tilespmem:s29], [sflag:$0x2], $0x80, $0x38;
	[tilespmem:$0x4580] =	vst v63  }
0x72: {  	s12 =	sadd.s32 $0x200, s9  }
0x73: {  	[hbm4b:s12+s4] =	stream.linear.scatter [tilespmem:s17], [sflag:$0x2], $0x80, $0x38;
	[tilespmem:$0x4580] =	vst v63  }
0x74: {  	s13 =	sadd.s32 $0x280, s9;
	s3 =	sadd.s32 $0x1, s3  }
0x75: {  	[hbm4b:s13+s4] =	stream.linear.scatter [tilespmem:s30], [sflag:$0x2], $0x80, $0x38;
	[tilespmem:$0x4580] =	vst v63  }
0x76: {  	s14 =	sadd.s32 $0x300, s9;
	p0 =	sne.s32 s3, s10  }
0x77: {  	[hbm4b:s14+s4] =	stream.linear.scatter [tilespmem:s18], [sflag:$0x2], $0x80, $0x38;
	[tilespmem:$0x4580] =	vst v63  }
.Ltmp2:
0x78: {  	s19 =	sadd.s32 $0x380, s9;
	(pc) =	sbr.rel @p0 .LBB2_1-.Ltmp2, $4  }
0x79: {  	[hbm4b:s19+s4] =	stream.linear.scatter [tilespmem:s31], [sflag:$0x2], $0x80, $0x38;
	[tilespmem:$0x4580] =	vst v63  }
0x7a: {  	_ =	swait.ge [sflag:s11], $0x400  }
0x7b: {  	[sflag:s11] =	ssyncset.done $0x0  }
0x7c: {  	[sflag:s11] =	ssyncadd.s32 $0xFFFFFC00  }
0x7d: {  	_ =	sfence.sel $0x180000  }
0x7e: {  	[bflag:$0x0] =	sbarrier.arrive $0xFFFF  }
0x7f: {  	_ =	strace $0x90000047  }
0x80: {  	s0 =	stileid.u32;
	[bflag:$0x2] =	sbarrier.arrive $0xFFFF  }
0x81: {  	p0 =	sne.s32 s0, $0x0;
	s0 =	rddreg [dreg:$0x4]  }
0x82: {  	s0 =	sadd.s32 @!p0 $0x100000, s0  }
0x83: {  	[sflag:s0] =	ssyncadd.tile.s32 @!p0 $0x1;
	_ =	shalt  }
.Lfunc_end2:
_tile_overlayer_lowered:
.L_overlay_start_2:
0x84: {  	(tag) =	ssettag $0x2  }
0x85: {  	s0 =	rddreg [dreg:$0x0];
	s2 =	stileid.u32  }
0x86: {  	s1 =	rddreg [dreg:$0x1];
	p0 =	sne.s32 s2, $0x0  }
0x87: {  	s3 =	rddreg [dreg:$0x2];
	[bflag:$0x3] =	sbarrier.arrive $0xFFFF;
	s2 =	simm.s32 @!p0 $0x1C02  }
0x88: {  	[timem:s3], [sflag:s2] =	dma.local @!p0 [hbm:s0], s1  }
0x89: {  	s0 =	simm.s32 @!p0 $0x2  }
0x8a: {  	_ =	swait.ge @!p0 [sflag:s0], s1  }
0x8b: {  	s1 =	ssub.s32 @!p0 $0x0, s1;
	[sflag:s0] =	ssyncset.done @!p0 $0x0  }
0x8c: {  	[sflag:s0] =	ssyncadd.s32 @!p0 s1  }
0x8d: {  	[bflag:$0x3] =	sbarrier.arrive $0xFFFF  }
0x8e: {  	_ =	shalt  }

</sc_bundles>
